<compile_context>
chip_gen: v7x
topology: tpu7x:2x2x1
jax: 0.10.2.dev20260603
libtpu: 0.0.44.dev20260713+nightly
codegen_flags: <defaults>
</compile_context>

<pallas_src>
import functools

import jax
import jax.numpy as jnp
import numpy as np
from jax import lax
from jax.experimental import pallas as pl
from jax.experimental.pallas import tpu as pltpu
from jax.experimental.pallas import tpu_sc as plsc

B = 128
N = 100000
BN = 2048
K = (N + BN - 1) // BN
NEG = -1e30
LOGMIN = float(np.log(np.float32(1e-30)))

_GW = 16
_NWORK = B // _GW


def _sc_gather_body(scores_hbm, av_hbm, act_hbm, sa_hbm, aa_hbm,
                    act_v, idx_v, sv, avv, sem1, sem2):
    c = lax.axis_index("c")
    s = lax.axis_index("s")
    wid = s * 2 + c

    @pl.when(wid < _NWORK)
    def _():
        base = wid * _GW
        pltpu.sync_copy(act_hbm.at[pl.ds(base, _GW)], act_v)
        rows = lax.iota(jnp.int32, _GW) + base
        idx_v[...] = act_v[...] + rows * N
        pltpu.async_copy(scores_hbm.at[idx_v], sv, sem1).wait()
        pltpu.async_copy(av_hbm.at[idx_v], avv, sem2).wait()
        pltpu.sync_copy(sv, sa_hbm.at[pl.ds(base, _GW)])
        pltpu.sync_copy(avv, aa_hbm.at[pl.ds(base, _GW)])


def _sc_gather(scores_flat, av_flat, action):
    mesh = plsc.VectorSubcoreMesh(core_axis_name="c", subcore_axis_name="s")
    fn = functools.partial(
        pl.kernel,
        mesh=mesh,
        out_type=(
            jax.ShapeDtypeStruct((B,), jnp.float32),
            jax.ShapeDtypeStruct((B,), jnp.int32),
        ),
        scratch_types=[
            pltpu.VMEM((_GW,), jnp.int32),
            pltpu.VMEM((_GW,), jnp.int32),
            pltpu.VMEM((_GW,), jnp.float32),
            pltpu.VMEM((_GW,), jnp.int32),
            pltpu.SemaphoreType.DMA,
            pltpu.SemaphoreType.DMA,
        ],
    )(_sc_gather_body)
    return fn(scores_flat, av_flat, action)


def _stats_kernel(scores_ref, av_ref,
                  m_ref, t_ref, u_ref, z_ref):
    k = pl.program_id(0)

    @pl.when(k == 0)
    def _init():
        m_ref[...] = jnp.full((B, 1), NEG, jnp.float32)
        t_ref[...] = jnp.zeros((B, 1), jnp.float32)
        u_ref[...] = jnp.zeros((B, 1), jnp.float32)
        z_ref[...] = jnp.zeros((B, 1), jnp.float32)

    s = scores_ref[...]
    a = av_ref[...]
    col = lax.broadcasted_iota(jnp.int32, (B, BN), 1) + k * BN
    valid = col < N
    am = (a > 0) & valid

    m_old = m_ref[...]
    bm = jnp.max(jnp.where(am, s, NEG), axis=1, keepdims=True)
    m_new = jnp.maximum(m_old, bm)
    scale = jnp.exp(m_old - m_new)
    e = jnp.where(am, jnp.exp(s - m_new), 0.0)
    bt = jnp.sum(e, axis=1, keepdims=True)
    bu = jnp.sum(jnp.where(am, e * (s - m_new), 0.0), axis=1, keepdims=True)
    t_old = t_ref[...]
    u_old = u_ref[...]
    m_ref[...] = m_new
    t_ref[...] = t_old * scale + bt
    u_ref[...] = (u_old - (m_new - m_old) * t_old) * scale + bu
    z_ref[...] = z_ref[...] + jnp.sum(
        jnp.where(valid & (a <= 0), 1.0, 0.0), axis=1, keepdims=True)


def _finalize_kernel(scores_ref, av_ref,
                     m_ref, t_ref, u_ref, z_ref, sa_ref, aa_ref,
                     probs_ref, lp_ref, ent_ref):
    k = pl.program_id(0)
    s = scores_ref[...]
    a = av_ref[...]
    col = lax.broadcasted_iota(jnp.int32, (B, BN), 1) + k * BN
    am = (a > 0) & (col < N)
    m = m_ref[...]
    t = t_ref[...]
    z = z_ref[...]
    D = t + 1e-13 * (t + z)
    invD = 1.0 / D
    e = jnp.where(am, jnp.exp(s - m), 0.0)
    probs_ref[...] = e * invD

    @pl.when(k == 0)
    def _heads():
        u = u_ref[...]
        sa = sa_ref[...]
        aa = aa_ref[...]
        logD = jnp.log(D)
        ent_ref[...] = (logD * t - u) * invD
        lp_ref[...] = jnp.where(
            aa > 0, jnp.maximum(sa - m - logD, LOGMIN), LOGMIN)


def _row_stat_spec():
    return pl.BlockSpec((B, 1), lambda k: (0, 0))


def kernel(scores, available, action):
    sa, aa = _sc_gather(scores.reshape(-1), available.reshape(-1),
                        action.astype(jnp.int32))
    stat_shape = jax.ShapeDtypeStruct((B, 1), jnp.float32)

    stats = pl.pallas_call(
        _stats_kernel,
        grid=(K,),
        in_specs=[
            pl.BlockSpec((B, BN), lambda k: (0, k)),
            pl.BlockSpec((B, BN), lambda k: (0, k)),
        ],
        out_specs=[_row_stat_spec() for _ in range(4)],
        out_shape=[stat_shape for _ in range(4)],
    )(scores, available)

    probs, lp, ent = pl.pallas_call(
        _finalize_kernel,
        grid=(K,),
        in_specs=[
            pl.BlockSpec((B, BN), lambda k: (0, k)),
            pl.BlockSpec((B, BN), lambda k: (0, k)),
        ] + [_row_stat_spec() for _ in range(6)],
        out_specs=[
            pl.BlockSpec((B, BN), lambda k: (0, k)),
            _row_stat_spec(),
            _row_stat_spec(),
        ],
        out_shape=[
            jax.ShapeDtypeStruct((B, N), jnp.float32),
            stat_shape,
            stat_shape,
        ],
    )(scores, available, *stats,
      sa.reshape(B, 1), aa.astype(jnp.float32).reshape(B, 1))

    return lp.reshape(B), ent.reshape(B), probs

# --- scband reference (transcript-rebuilt; emitter-appended) ---
"""Pipeline reference for scband-actor-critic-32676111188288 (READ-ONLY COPY).

The authoritative reference and input builder live on the scoring server;
editing this copy changes nothing except your own understanding.
"""

import jax, jax.numpy as jnp
import numpy as np


def masked_softmax2(vector, mask, dim=1, temperature=1.0):
    # Faithful port of ActorCritic.masked_softmax2 (memory_efficient=False branch)
    mask = mask.astype(jnp.float32)
    result = jax.nn.softmax(vector / temperature * mask, axis=dim)
    result = result * mask
    result = result / (result.sum(axis=dim, keepdims=True) + 1e-13)
    return result


def setup_inputs(seed: int = 0) -> dict:
    key = jax.random.key(seed)
    k1, k2, k3 = jax.random.split(key, 3)
    B, N = 128, 100000
    scores = jax.random.normal(k1, (B, N), dtype=jnp.float32)
    available = jax.random.randint(k2, (B, N), 0, 2).astype(jnp.int32)
    action = jax.random.randint(k3, (B,), 0, N).astype(jnp.int32)
    return {"scores": scores, "available": available, "action": action}


def reference(scores, available, action):
    # ActorCritic.evaluate() distribution math (action_layer output = scores,
    # i.e. the policy network's raw per-action logits).
    av = available.astype(jnp.float32)
    # action_probs = out + |min(out, dim=1, keepdim)|
    ap = scores + jnp.abs(jnp.min(scores, axis=1, keepdims=True))
    # action_probs = action_probs - max(action_probs * available, dim=1, keepdim)
    ap = ap - jnp.max(ap * av, axis=1, keepdims=True)
    # masked softmax over actions
    probs = masked_softmax2(ap, av, dim=1)
    # Categorical(probs): log_prob(action) and entropy (torch clamps log(0))
    logp = jnp.log(jnp.clip(probs, 1e-30))
    action_logprobs = jnp.take_along_axis(logp, action[:, None].astype(jnp.int32), axis=1)[:, 0]
    dist_entropy = -jnp.sum(jnp.where(probs > 0, probs * logp, 0.0), axis=1)
    return action_logprobs, dist_entropy, probs

if __name__ == "__main__":
    import jax
    _d = setup_inputs()
    print(jax.jit(kernel)(*tuple(_d.values())))

</pallas_src>

<mosaic_0001>
#map = affine_map<(d0, d1) -> (0)>
module attributes {stable_mosaic.version = 14 : i64} {
  func.func @_sc_gather_body(%arg0: i32, %arg1: i32, %arg2: memref<12800000xf32, #tpu.memory_space<hbm>>, %arg3: memref<12800000xi32, #tpu.memory_space<hbm>>, %arg4: memref<128xi32, #tpu.memory_space<hbm>>, %arg5: memref<128xf32, #tpu.memory_space<hbm>>, %arg6: memref<128xi32, #tpu.memory_space<hbm>>, %arg7: memref<16xi32, #tpu.memory_space<vmem>>, %arg8: memref<16xi32, #tpu.memory_space<vmem>>, %arg9: memref<16xf32, #tpu.memory_space<vmem>>, %arg10: memref<16xi32, #tpu.memory_space<vmem>>, %arg11: memref<!tpu.dma_semaphore, #tpu.memory_space<semaphore_mem>>, %arg12: memref<!tpu.dma_semaphore, #tpu.memory_space<semaphore_mem>>) attributes {dimension_semantics = [#tpu.dimension_semantics<core_parallel>, #tpu.dimension_semantics<subcore_parallel>], iteration_bounds = array<i64: 2, 16>, scalar_prefetch = 0 : i64, scratch_operands = 6 : i64, tpu.core_type = #tpu.core_type<sc_vector_subcore>, window_params = [{transform_indices = #map}, {transform_indices = #map}, {transform_indices = #map}, {transform_indices = #map}, {transform_indices = #map}]} {
    %mul3A = arith.constant 2 : i32
    %mul3A_0 = arith.muli %arg1, %mul3A : i32
    %add3A = arith.addi %mul3A_0, %arg0 : i32
    %lt3A = arith.constant 8 : i32
    %lt3A_1 = arith.cmpi slt, %add3A, %lt3A : i32
    %convert_element_type3A = arith.extui %lt3A_1 : i1 to i32
    %cond3A = arith.constant 0 : i32
    %cond3A_2 = arith.cmpi ne, %convert_element_type3A, %cond3A : i32
    scf.if %cond3A_2 {
      %mul3A_3 = arith.constant 16 : i32
      %mul3A_4 = arith.muli %add3A, %mul3A_3 : i32
      "tpu.region"() ({
        %run_scoped3A = tpu.sem_alloc : memref<!tpu.dma_semaphore, #tpu.memory_space<semaphore_mem>>
        %dma_start3A_22 = tpu.memref_slice %arg4[%mul3A_4] : memref<128xi32, #tpu.memory_space<hbm>> -> memref<16xi32, #tpu.memory_space<hbm>>
        %dma_start3A_23 = tpu.memref_slice %arg4[%mul3A_4] : memref<128xi32, #tpu.memory_space<hbm>> -> memref<16xi32, #tpu.memory_space<hbm>>
        tpu.enqueue_dma source(%dma_start3A_23 : memref<16xi32, #tpu.memory_space<hbm>>) target(%arg7 : memref<16xi32, #tpu.memory_space<vmem>>) target_semaphore(%run_scoped3A : memref<!tpu.dma_semaphore, #tpu.memory_space<semaphore_mem>>)
        %dma_wait3A_24 = tpu.memref_slice %arg4[%mul3A_4] : memref<128xi32, #tpu.memory_space<hbm>> -> memref<16xi32, #tpu.memory_space<hbm>>
        %dma_wait3A_25 = tpu.memref_slice %arg4[%mul3A_4] : memref<128xi32, #tpu.memory_space<hbm>> -> memref<16xi32, #tpu.memory_space<hbm>>
        tpu.wait_dma2 semaphore(%run_scoped3A : memref<!tpu.dma_semaphore, #tpu.memory_space<semaphore_mem>>) src(%dma_wait3A_25 : memref<16xi32, #tpu.memory_space<hbm>>) dst(%arg7 : memref<16xi32, #tpu.memory_space<vmem>>)
        tpu.yield
      }) : () -> ()
      %iota3A = tpu.iota {dimensions = array<i32: 0>} : vector<16xi32>
      %add3A_5 = vector.broadcast %mul3A_4 : i32 to vector<16xi32>
      %add3A_6 = arith.addi %iota3A, %add3A_5 : vector<16xi32>
      %get3A = arith.constant 0 : index
      %get3A_7 = tpu.vector_load %arg7[%get3A] {strides = array<i32>} : memref<16xi32, #tpu.memory_space<vmem>>, vector<16xi32>,
      %get3A_8 = vector.shape_cast %get3A_7 : vector<16xi32> to vector<16xi32>
      %mul3A_9 = arith.constant 100000 : i32
      %mul3A_10 = vector.broadcast %mul3A_9 : i32 to vector<16xi32>
      %mul3A_11 = arith.muli %add3A_6, %mul3A_10 : vector<16xi32>
      %add3A_12 = arith.addi %get3A_8, %mul3A_11 : vector<16xi32>
      %swap3A = arith.constant 0 : index
      %swap3A_13 = tpu.vector_load %arg8[%swap3A] {strides = array<i32>} : memref<16xi32, #tpu.memory_space<vmem>>, vector<16xi32>,
      %swap3A_14 = vector.shape_cast %swap3A_13 : vector<16xi32> to vector<16xi32>
      %swap3A_15 = vector.shape_cast %add3A_12 : vector<16xi32> to vector<16xi32>
      tpu.vector_store %arg8[%swap3A], %swap3A_15 {strides = array<i32>} : memref<16xi32, #tpu.memory_space<vmem>>, vector<16xi32>,
      %dma_start3A = arith.constant 0 : i32
      %dma_start3A_16 = tpu.memref_slice %arg2[%dma_start3A] : memref<12800000xf32, #tpu.memory_space<hbm>> -> memref<12800000xf32, #tpu.memory_space<hbm>>
      tpu.enqueue_indirect_dma source(%dma_start3A_16 : memref<12800000xf32, #tpu.memory_space<hbm>>) target(%arg9 : memref<16xf32, #tpu.memory_space<vmem>>) offsets(%arg8 : memref<16xi32, #tpu.memory_space<vmem>>) semaphore(%arg11 : memref<!tpu.dma_semaphore, #tpu.memory_space<semaphore_mem>>)
      %dma_wait3A = arith.constant 0 : i32
      %dma_wait3A_17 = tpu.memref_slice %arg2[%dma_wait3A] : memref<12800000xf32, #tpu.memory_space<hbm>> -> memref<12800000xf32, #tpu.memory_space<hbm>>
      tpu.wait_indirect_dma semaphore(%arg11 : memref<!tpu.dma_semaphore, #tpu.memory_space<semaphore_mem>>) src(%dma_wait3A_17 : memref<12800000xf32, #tpu.memory_space<hbm>>) dst(%arg9 : memref<16xf32, #tpu.memory_space<vmem>>)
      %dma_start3A_18 = arith.constant 0 : i32
      %dma_start3A_19 = tpu.memref_slice %arg3[%dma_start3A_18] : memref<12800000xi32, #tpu.memory_space<hbm>> -> memref<12800000xi32, #tpu.memory_space<hbm>>
      tpu.enqueue_indirect_dma source(%dma_start3A_19 : memref<12800000xi32, #tpu.memory_space<hbm>>) target(%arg10 : memref<16xi32, #tpu.memory_space<vmem>>) offsets(%arg8 : memref<16xi32, #tpu.memory_space<vmem>>) semaphore(%arg12 : memref<!tpu.dma_semaphore, #tpu.memory_space<semaphore_mem>>)
      %dma_wait3A_20 = arith.constant 0 : i32
      %dma_wait3A_21 = tpu.memref_slice %arg3[%dma_wait3A_20] : memref<12800000xi32, #tpu.memory_space<hbm>> -> memref<12800000xi32, #tpu.memory_space<hbm>>
      tpu.wait_indirect_dma semaphore(%arg12 : memref<!tpu.dma_semaphore, #tpu.memory_space<semaphore_mem>>) src(%dma_wait3A_21 : memref<12800000xi32, #tpu.memory_space<hbm>>) dst(%arg10 : memref<16xi32, #tpu.memory_space<vmem>>)
      "tpu.region"() ({
        %run_scoped3A = tpu.sem_alloc : memref<!tpu.dma_semaphore, #tpu.memory_space<semaphore_mem>>
        %dma_start3A_22 = tpu.memref_slice %arg5[%mul3A_4] : memref<128xf32, #tpu.memory_space<hbm>> -> memref<16xf32, #tpu.memory_space<hbm>>
        %dma_start3A_23 = tpu.memref_slice %arg5[%mul3A_4] : memref<128xf32, #tpu.memory_space<hbm>> -> memref<16xf32, #tpu.memory_space<hbm>>
        tpu.enqueue_dma source(%arg9 : memref<16xf32, #tpu.memory_space<vmem>>) target(%dma_start3A_23 : memref<16xf32, #tpu.memory_space<hbm>>) target_semaphore(%run_scoped3A : memref<!tpu.dma_semaphore, #tpu.memory_space<semaphore_mem>>)
        %dma_wait3A_24 = tpu.memref_slice %arg5[%mul3A_4] : memref<128xf32, #tpu.memory_space<hbm>> -> memref<16xf32, #tpu.memory_space<hbm>>
        %dma_wait3A_25 = tpu.memref_slice %arg5[%mul3A_4] : memref<128xf32, #tpu.memory_space<hbm>> -> memref<16xf32, #tpu.memory_space<hbm>>
        tpu.wait_dma2 semaphore(%run_scoped3A : memref<!tpu.dma_semaphore, #tpu.memory_space<semaphore_mem>>) src(%arg9 : memref<16xf32, #tpu.memory_space<vmem>>) dst(%dma_wait3A_25 : memref<16xf32, #tpu.memory_space<hbm>>)
        tpu.yield
      }) : () -> ()
      "tpu.region"() ({
        %run_scoped3A = tpu.sem_alloc : memref<!tpu.dma_semaphore, #tpu.memory_space<semaphore_mem>>
        %dma_start3A_22 = tpu.memref_slice %arg6[%mul3A_4] : memref<128xi32, #tpu.memory_space<hbm>> -> memref<16xi32, #tpu.memory_space<hbm>>
        %dma_start3A_23 = tpu.memref_slice %arg6[%mul3A_4] : memref<128xi32, #tpu.memory_space<hbm>> -> memref<16xi32, #tpu.memory_space<hbm>>
        tpu.enqueue_dma source(%arg10 : memref<16xi32, #tpu.memory_space<vmem>>) target(%dma_start3A_23 : memref<16xi32, #tpu.memory_space<hbm>>) target_semaphore(%run_scoped3A : memref<!tpu.dma_semaphore, #tpu.memory_space<semaphore_mem>>)
        %dma_wait3A_24 = tpu.memref_slice %arg6[%mul3A_4] : memref<128xi32, #tpu.memory_space<hbm>> -> memref<16xi32, #tpu.memory_space<hbm>>
        %dma_wait3A_25 = tpu.memref_slice %arg6[%mul3A_4] : memref<128xi32, #tpu.memory_space<hbm>> -> memref<16xi32, #tpu.memory_space<hbm>>
        tpu.wait_dma2 semaphore(%run_scoped3A : memref<!tpu.dma_semaphore, #tpu.memory_space<semaphore_mem>>) src(%arg10 : memref<16xi32, #tpu.memory_space<vmem>>) dst(%dma_wait3A_25 : memref<16xi32, #tpu.memory_space<hbm>>)
        tpu.yield
      }) : () -> ()
    } else {
    }
    return
  }
}

module attributes {stable_mosaic.version = 14 : i64} {
  func.func @_stats_kernel(%arg0: i32, %arg1: memref<128x2048xf32, #tpu.memory_space<vmem>>, %arg2: memref<128x2048xi32, #tpu.memory_space<vmem>>, %arg3: memref<128x1xf32, #tpu.memory_space<vmem>>, %arg4: memref<128x1xf32, #tpu.memory_space<vmem>>, %arg5: memref<128x1xf32, #tpu.memory_space<vmem>>, %arg6: memref<128x1xf32, #tpu.memory_space<vmem>>) attributes {dimension_semantics = [#tpu.dimension_semantics<arbitrary>], iteration_bounds = array<i64: 49>, scalar_prefetch = 0 : i64, scratch_operands = 0 : i64, tpu.core_type = #tpu.core_type<tc>, window_params = [{transform_indices = @transform_0, window_bounds = array<i64: 128, 2048>}, {transform_indices = @transform_1, window_bounds = array<i64: 128, 2048>}, {pipeline_mode = #tpu.pipeline_mode<synchronous>, transform_indices = @transform_2, window_bounds = array<i64: 128, 1>}, {pipeline_mode = #tpu.pipeline_mode<synchronous>, transform_indices = @transform_3, window_bounds = array<i64: 128, 1>}, {pipeline_mode = #tpu.pipeline_mode<synchronous>, transform_indices = @transform_4, window_bounds = array<i64: 128, 1>}, {pipeline_mode = #tpu.pipeline_mode<synchronous>, transform_indices = @transform_5, window_bounds = array<i64: 128, 1>}]} {
    %eq3A = arith.constant 0 : i32
    %eq3A_0 = arith.cmpi eq, %arg0, %eq3A : i32
    %convert_element_type3A = arith.extui %eq3A_0 : i1 to i32
    %cond3A = arith.constant 0 : i32
    %cond3A_1 = arith.cmpi ne, %convert_element_type3A, %cond3A : i32
    scf.if %cond3A_1 {
      %broadcast_in_dim3A_74 = arith.constant -1.000000e+30 : f32
      %broadcast_in_dim3A_75 = vector.broadcast %broadcast_in_dim3A_74 : f32 to vector<128x1xf32>
      %swap3A_76 = arith.constant 0 : index
      %swap3A_77 = arith.constant 0 : index
      %swap3A_78 = vector.load %arg3[%swap3A_76, %swap3A_77] : memref<128x1xf32, #tpu.memory_space<vmem>>, vector<128x1xf32>
      tpu.vector_store %arg3[%swap3A_76, %swap3A_77], %broadcast_in_dim3A_75 {strides = array<i32>} : memref<128x1xf32, #tpu.memory_space<vmem>>, vector<128x1xf32>,
      %broadcast_in_dim3A_79 = arith.constant 0.000000e+00 : f32
      %broadcast_in_dim3A_80 = vector.broadcast %broadcast_in_dim3A_79 : f32 to vector<128x1xf32>
      %swap3A_81 = arith.constant 0 : index
      %swap3A_82 = arith.constant 0 : index
      %swap3A_83 = vector.load %arg4[%swap3A_81, %swap3A_82] : memref<128x1xf32, #tpu.memory_space<vmem>>, vector<128x1xf32>
      tpu.vector_store %arg4[%swap3A_81, %swap3A_82], %broadcast_in_dim3A_80 {strides = array<i32>} : memref<128x1xf32, #tpu.memory_space<vmem>>, vector<128x1xf32>,
      %broadcast_in_dim3A_84 = arith.constant 0.000000e+00 : f32
      %broadcast_in_dim3A_85 = vector.broadcast %broadcast_in_dim3A_84 : f32 to vector<128x1xf32>
      %swap3A_86 = arith.constant 0 : index
      %swap3A_87 = arith.constant 0 : index
      %swap3A_88 = vector.load %arg5[%swap3A_86, %swap3A_87] : memref<128x1xf32, #tpu.memory_space<vmem>>, vector<128x1xf32>
      tpu.vector_store %arg5[%swap3A_86, %swap3A_87], %broadcast_in_dim3A_85 {strides = array<i32>} : memref<128x1xf32, #tpu.memory_space<vmem>>, vector<128x1xf32>,
      %broadcast_in_dim3A_89 = arith.constant 0.000000e+00 : f32
      %broadcast_in_dim3A_90 = vector.broadcast %broadcast_in_dim3A_89 : f32 to vector<128x1xf32>
      %swap3A_91 = arith.constant 0 : index
      %swap3A_92 = arith.constant 0 : index
      %swap3A_93 = vector.load %arg6[%swap3A_91, %swap3A_92] : memref<128x1xf32, #tpu.memory_space<vmem>>, vector<128x1xf32>
      tpu.vector_store %arg6[%swap3A_91, %swap3A_92], %broadcast_in_dim3A_90 {strides = array<i32>} : memref<128x1xf32, #tpu.memory_space<vmem>>, vector<128x1xf32>,
    } else {
    }
    %get3A = arith.constant 0 : index
    %get3A_2 = arith.constant 0 : index
    %get3A_3 = vector.load %arg1[%get3A, %get3A_2] : memref<128x2048xf32, #tpu.memory_space<vmem>>, vector<128x2048xf32>
    %get3A_4 = arith.constant 0 : index
    %get3A_5 = arith.constant 0 : index
    %get3A_6 = vector.load %arg2[%get3A_4, %get3A_5] : memref<128x2048xi32, #tpu.memory_space<vmem>>, vector<128x2048xi32>
    %iota3A = tpu.iota {dimensions = array<i32: 1>} : vector<128x2048xi32>
    %mul3A = arith.constant 2048 : i32
    %mul3A_7 = arith.muli %arg0, %mul3A : i32
    %add3A = vector.broadcast %mul3A_7 : i32 to vector<128x2048xi32>
    %add3A_8 = arith.addi %iota3A, %add3A : vector<128x2048xi32>
    %lt3A = arith.constant 100000 : i32
    %lt3A_9 = vector.broadcast %lt3A : i32 to vector<128x2048xi32>
    %lt3A_10 = arith.cmpi slt, %add3A_8, %lt3A_9 : vector<128x2048xi32>
    %gt3A = arith.constant 0 : i32
    %gt3A_11 = vector.broadcast %gt3A : i32 to vector<128x2048xi32>
    %gt3A_12 = arith.cmpi sgt, %get3A_6, %gt3A_11 : vector<128x2048xi32>
    %and3A = arith.andi %gt3A_12, %lt3A_10 : vector<128x2048xi1>
    %get3A_13 = arith.constant 0 : index
    %get3A_14 = arith.constant 0 : index
    %get3A_15 = vector.load %arg3[%get3A_13, %get3A_14] : memref<128x1xf32, #tpu.memory_space<vmem>>, vector<128x1xf32>
    %jit3A = arith.constant -1.000000e+30 : f32
    %broadcast_in_dim3A = vector.broadcast %jit3A : f32 to vector<128x2048xf32>
    %select_n3A = arith.select %and3A, %get3A_3, %broadcast_in_dim3A : vector<128x2048xi1>, vector<128x2048xf32>
    %reduce_max3A = arith.constant dense<0xFF800000> : vector<128xf32>
    %reduce_max3A_16 = vector.multi_reduction <maximumf>, %select_n3A, %reduce_max3A [1] : vector<128x2048xf32> to vector<128xf32>
    %broadcast_in_dim3A_17 = vector.shape_cast %reduce_max3A_16 : vector<128xf32> to vector<128x1xf32>
    %max3A = arith.maximumf %get3A_15, %broadcast_in_dim3A_17 : vector<128x1xf32>
    %sub3A = arith.subf %get3A_15, %max3A : vector<128x1xf32>
    %exp3A = math.exp %sub3A : vector<128x1xf32>
    %sub3A_18 = vector.broadcast %max3A : vector<128x1xf32> to vector<128x2048xf32>
    %sub3A_19 = arith.subf %get3A_3, %sub3A_18 : vector<128x2048xf32>
    %exp3A_20 = math.exp %sub3A_19 : vector<128x2048xf32>
    %jit3A_21 = arith.constant 0.000000e+00 : f32
    %broadcast_in_dim3A_22 = vector.broadcast %jit3A_21 : f32 to vector<128x2048xf32>
    %select_n3A_23 = arith.select %and3A, %exp3A_20, %broadcast_in_dim3A_22 : vector<128x2048xi1>, vector<128x2048xf32>
    %reduce_sum3A = arith.constant dense<0.000000e+00> : vector<128xf32>
    %reduce_sum3A_24 = vector.multi_reduction <add>, %select_n3A_23, %reduce_sum3A [1] : vector<128x2048xf32> to vector<128xf32>
    %broadcast_in_dim3A_25 = vector.shape_cast %reduce_sum3A_24 : vector<128xf32> to vector<128x1xf32>
    %sub3A_26 = vector.broadcast %max3A : vector<128x1xf32> to vector<128x2048xf32>
    %sub3A_27 = arith.subf %get3A_3, %sub3A_26 : vector<128x2048xf32>
    %mul3A_28 = arith.mulf %select_n3A_23, %sub3A_27 : vector<128x2048xf32>
    %jit3A_29 = arith.constant 0.000000e+00 : f32
    %broadcast_in_dim3A_30 = vector.broadcast %jit3A_29 : f32 to vector<128x2048xf32>
    %select_n3A_31 = arith.select %and3A, %mul3A_28, %broadcast_in_dim3A_30 : vector<128x2048xi1>, vector<128x2048xf32>
    %reduce_sum3A_32 = arith.constant dense<0.000000e+00> : vector<128xf32>
    %reduce_sum3A_33 = vector.multi_reduction <add>, %select_n3A_31, %reduce_sum3A_32 [1] : vector<128x2048xf32> to vector<128xf32>
    %broadcast_in_dim3A_34 = vector.shape_cast %reduce_sum3A_33 : vector<128xf32> to vector<128x1xf32>
    %get3A_35 = arith.constant 0 : index
    %get3A_36 = arith.constant 0 : index
    %get3A_37 = vector.load %arg4[%get3A_35, %get3A_36] : memref<128x1xf32, #tpu.memory_space<vmem>>, vector<128x1xf32>
    %get3A_38 = arith.constant 0 : index
    %get3A_39 = arith.constant 0 : index
    %get3A_40 = vector.load %arg5[%get3A_38, %get3A_39] : memref<128x1xf32, #tpu.memory_space<vmem>>, vector<128x1xf32>
    %swap3A = arith.constant 0 : index
    %swap3A_41 = arith.constant 0 : index
    %swap3A_42 = vector.load %arg3[%swap3A, %swap3A_41] : memref<128x1xf32, #tpu.memory_space<vmem>>, vector<128x1xf32>
    tpu.vector_store %arg3[%swap3A, %swap3A_41], %max3A {strides = array<i32>} : memref<128x1xf32, #tpu.memory_space<vmem>>, vector<128x1xf32>,
    %mul3A_43 = arith.mulf %get3A_37, %exp3A : vector<128x1xf32>
    %add3A_44 = arith.addf %mul3A_43, %broadcast_in_dim3A_25 : vector<128x1xf32>
    %swap3A_45 = arith.constant 0 : index
    %swap3A_46 = arith.constant 0 : index
    %swap3A_47 = vector.load %arg4[%swap3A_45, %swap3A_46] : memref<128x1xf32, #tpu.memory_space<vmem>>, vector<128x1xf32>
    tpu.vector_store %arg4[%swap3A_45, %swap3A_46], %add3A_44 {strides = array<i32>} : memref<128x1xf32, #tpu.memory_space<vmem>>, vector<128x1xf32>,
    %sub3A_48 = arith.subf %max3A, %get3A_15 : vector<128x1xf32>
    %mul3A_49 = arith.mulf %sub3A_48, %get3A_37 : vector<128x1xf32>
    %sub3A_50 = arith.subf %get3A_40, %mul3A_49 : vector<128x1xf32>
    %mul3A_51 = arith.mulf %sub3A_50, %exp3A : vector<128x1xf32>
    %add3A_52 = arith.addf %mul3A_51, %broadcast_in_dim3A_34 : vector<128x1xf32>
    %swap3A_53 = arith.constant 0 : index
    %swap3A_54 = arith.constant 0 : index
    %swap3A_55 = vector.load %arg5[%swap3A_53, %swap3A_54] : memref<128x1xf32, #tpu.memory_space<vmem>>, vector<128x1xf32>
    tpu.vector_store %arg5[%swap3A_53, %swap3A_54], %add3A_52 {strides = array<i32>} : memref<128x1xf32, #tpu.memory_space<vmem>>, vector<128x1xf32>,
    %get3A_56 = arith.constant 0 : index
    %get3A_57 = arith.constant 0 : index
    %get3A_58 = vector.load %arg6[%get3A_56, %get3A_57] : memref<128x1xf32, #tpu.memory_space<vmem>>, vector<128x1xf32>
    %le3A = arith.constant 0 : i32
    %le3A_59 = vector.broadcast %le3A : i32 to vector<128x2048xi32>
    %le3A_60 = arith.cmpi sle, %get3A_6, %le3A_59 : vector<128x2048xi32>
    %and3A_61 = arith.andi %lt3A_10, %le3A_60 : vector<128x2048xi1>
    %jit3A_62 = arith.constant 1.000000e+00 : f32
    %jit3A_63 = arith.constant 0.000000e+00 : f32
    %broadcast_in_dim3A_64 = vector.broadcast %jit3A_62 : f32 to vector<128x2048xf32>
    %broadcast_in_dim3A_65 = vector.broadcast %jit3A_63 : f32 to vector<128x2048xf32>
    %select_n3A_66 = arith.select %and3A_61, %broadcast_in_dim3A_64, %broadcast_in_dim3A_65 : vector<128x2048xi1>, vector<128x2048xf32>
    %reduce_sum3A_67 = arith.constant dense<0.000000e+00> : vector<128xf32>
    %reduce_sum3A_68 = vector.multi_reduction <add>, %select_n3A_66, %reduce_sum3A_67 [1] : vector<128x2048xf32> to vector<128xf32>
    %broadcast_in_dim3A_69 = vector.shape_cast %reduce_sum3A_68 : vector<128xf32> to vector<128x1xf32>
    %add3A_70 = arith.addf %get3A_58, %broadcast_in_dim3A_69 : vector<128x1xf32>
    %swap3A_71 = arith.constant 0 : index
    %swap3A_72 = arith.constant 0 : index
    %swap3A_73 = vector.load %arg6[%swap3A_71, %swap3A_72] : memref<128x1xf32, #tpu.memory_space<vmem>>, vector<128x1xf32>
    tpu.vector_store %arg6[%swap3A_71, %swap3A_72], %add3A_70 {strides = array<i32>} : memref<128x1xf32, #tpu.memory_space<vmem>>, vector<128x1xf32>,
    return
  }
  func.func @transform_0(%arg0: i32) -> (i32, i32) {
    %c0_i32 = arith.constant 0 : i32
    %c0_i32_0 = arith.constant 0 : i32
    return %c0_i32, %arg0 : i32, i32
  }
  func.func @transform_1(%arg0: i32) -> (i32, i32) {
    %c0_i32 = arith.constant 0 : i32
    %c0_i32_0 = arith.constant 0 : i32
    return %c0_i32, %arg0 : i32, i32
  }
  func.func @transform_2(%arg0: i32) -> (i32, i32) {
    %c0_i32 = arith.constant 0 : i32
    %c0_i32_0 = arith.constant 0 : i32
    %c0_i32_1 = arith.constant 0 : i32
    return %c0_i32, %c0_i32_0 : i32, i32
  }
  func.func @transform_3(%arg0: i32) -> (i32, i32) {
    %c0_i32 = arith.constant 0 : i32
    %c0_i32_0 = arith.constant 0 : i32
    %c0_i32_1 = arith.constant 0 : i32
    return %c0_i32, %c0_i32_0 : i32, i32
  }
  func.func @transform_4(%arg0: i32) -> (i32, i32) {
    %c0_i32 = arith.constant 0 : i32
    %c0_i32_0 = arith.constant 0 : i32
    %c0_i32_1 = arith.constant 0 : i32
    return %c0_i32, %c0_i32_0 : i32, i32
  }
  func.func @transform_5(%arg0: i32) -> (i32, i32) {
    %c0_i32 = arith.constant 0 : i32
    %c0_i32_0 = arith.constant 0 : i32
    %c0_i32_1 = arith.constant 0 : i32
    return %c0_i32, %c0_i32_0 : i32, i32
  }
}

module attributes {stable_mosaic.version = 14 : i64} {
  func.func @_finalize_kernel(%arg0: i32, %arg1: memref<128x2048xf32, #tpu.memory_space<vmem>>, %arg2: memref<128x2048xi32, #tpu.memory_space<vmem>>, %arg3: memref<128x1xf32, #tpu.memory_space<vmem>>, %arg4: memref<128x1xf32, #tpu.memory_space<vmem>>, %arg5: memref<128x1xf32, #tpu.memory_space<vmem>>, %arg6: memref<128x1xf32, #tpu.memory_space<vmem>>, %arg7: memref<128x1xf32, #tpu.memory_space<vmem>>, %arg8: memref<128x1xf32, #tpu.memory_space<vmem>>, %arg9: memref<128x2048xf32, #tpu.memory_space<vmem>>, %arg10: memref<128x1xf32, #tpu.memory_space<vmem>>, %arg11: memref<128x1xf32, #tpu.memory_space<vmem>>) attributes {dimension_semantics = [#tpu.dimension_semantics<arbitrary>], iteration_bounds = array<i64: 49>, scalar_prefetch = 0 : i64, scratch_operands = 0 : i64, tpu.core_type = #tpu.core_type<tc>, window_params = [{transform_indices = @transform_0, window_bounds = array<i64: 128, 2048>}, {transform_indices = @transform_1, window_bounds = array<i64: 128, 2048>}, {pipeline_mode = #tpu.pipeline_mode<synchronous>, transform_indices = @transform_2, window_bounds = array<i64: 128, 1>}, {pipeline_mode = #tpu.pipeline_mode<synchronous>, transform_indices = @transform_3, window_bounds = array<i64: 128, 1>}, {pipeline_mode = #tpu.pipeline_mode<synchronous>, transform_indices = @transform_4, window_bounds = array<i64: 128, 1>}, {pipeline_mode = #tpu.pipeline_mode<synchronous>, transform_indices = @transform_5, window_bounds = array<i64: 128, 1>}, {pipeline_mode = #tpu.pipeline_mode<synchronous>, transform_indices = @transform_6, window_bounds = array<i64: 128, 1>}, {pipeline_mode = #tpu.pipeline_mode<synchronous>, transform_indices = @transform_7, window_bounds = array<i64: 128, 1>}, {transform_indices = @transform_8, window_bounds = array<i64: 128, 2048>}, {pipeline_mode = #tpu.pipeline_mode<synchronous>, transform_indices = @transform_9, window_bounds = array<i64: 128, 1>}, {pipeline_mode = #tpu.pipeline_mode<synchronous>, transform_indices = @transform_10, window_bounds = array<i64: 128, 1>}]} {
    %get3A = arith.constant 0 : index
    %get3A_0 = arith.constant 0 : index
    %get3A_1 = vector.load %arg1[%get3A, %get3A_0] : memref<128x2048xf32, #tpu.memory_space<vmem>>, vector<128x2048xf32>
    %get3A_2 = arith.constant 0 : index
    %get3A_3 = arith.constant 0 : index
    %get3A_4 = vector.load %arg2[%get3A_2, %get3A_3] : memref<128x2048xi32, #tpu.memory_space<vmem>>, vector<128x2048xi32>
    %iota3A = tpu.iota {dimensions = array<i32: 1>} : vector<128x2048xi32>
    %mul3A = arith.constant 2048 : i32
    %mul3A_5 = arith.muli %arg0, %mul3A : i32
    %add3A = vector.broadcast %mul3A_5 : i32 to vector<128x2048xi32>
    %add3A_6 = arith.addi %iota3A, %add3A : vector<128x2048xi32>
    %gt3A = arith.constant 0 : i32
    %gt3A_7 = vector.broadcast %gt3A : i32 to vector<128x2048xi32>
    %gt3A_8 = arith.cmpi sgt, %get3A_4, %gt3A_7 : vector<128x2048xi32>
    %lt3A = arith.constant 100000 : i32
    %lt3A_9 = vector.broadcast %lt3A : i32 to vector<128x2048xi32>
    %lt3A_10 = arith.cmpi slt, %add3A_6, %lt3A_9 : vector<128x2048xi32>
    %and3A = arith.andi %gt3A_8, %lt3A_10 : vector<128x2048xi1>
    %get3A_11 = arith.constant 0 : index
    %get3A_12 = arith.constant 0 : index
    %get3A_13 = vector.load %arg3[%get3A_11, %get3A_12] : memref<128x1xf32, #tpu.memory_space<vmem>>, vector<128x1xf32>
    %get3A_14 = arith.constant 0 : index
    %get3A_15 = arith.constant 0 : index
    %get3A_16 = vector.load %arg4[%get3A_14, %get3A_15] : memref<128x1xf32, #tpu.memory_space<vmem>>, vector<128x1xf32>
    %get3A_17 = arith.constant 0 : index
    %get3A_18 = arith.constant 0 : index
    %get3A_19 = vector.load %arg6[%get3A_17, %get3A_18] : memref<128x1xf32, #tpu.memory_space<vmem>>, vector<128x1xf32>
    %add3A_20 = arith.addf %get3A_16, %get3A_19 : vector<128x1xf32>
    %mul3A_21 = arith.constant 9.99999982E-14 : f32
    %mul3A_22 = vector.broadcast %mul3A_21 : f32 to vector<128x1xf32>
    %mul3A_23 = arith.mulf %mul3A_22, %add3A_20 : vector<128x1xf32>
    %add3A_24 = arith.addf %get3A_16, %mul3A_23 : vector<128x1xf32>
    %div3A = arith.constant 1.000000e+00 : f32
    %div3A_25 = vector.broadcast %div3A : f32 to vector<128x1xf32>
    %div3A_26 = arith.divf %div3A_25, %add3A_24 : vector<128x1xf32>
    %sub3A = vector.broadcast %get3A_13 : vector<128x1xf32> to vector<128x2048xf32>
    %sub3A_27 = arith.subf %get3A_1, %sub3A : vector<128x2048xf32>
    %exp3A = math.exp %sub3A_27 : vector<128x2048xf32>
    %jit3A = arith.constant 0.000000e+00 : f32
    %broadcast_in_dim3A = vector.broadcast %jit3A : f32 to vector<128x2048xf32>
    %select_n3A = arith.select %and3A, %exp3A, %broadcast_in_dim3A : vector<128x2048xi1>, vector<128x2048xf32>
    %mul3A_28 = vector.broadcast %div3A_26 : vector<128x1xf32> to vector<128x2048xf32>
    %mul3A_29 = arith.mulf %select_n3A, %mul3A_28 : vector<128x2048xf32>
    %swap3A = arith.constant 0 : index
    %swap3A_30 = arith.constant 0 : index
    %swap3A_31 = vector.load %arg9[%swap3A, %swap3A_30] : memref<128x2048xf32, #tpu.memory_space<vmem>>, vector<128x2048xf32>
    tpu.vector_store %arg9[%swap3A, %swap3A_30], %mul3A_29 {strides = array<i32>} : memref<128x2048xf32, #tpu.memory_space<vmem>>, vector<128x2048xf32>,
    %eq3A = arith.constant 0 : i32
    %eq3A_32 = arith.cmpi eq, %arg0, %eq3A : i32
    %convert_element_type3A = arith.extui %eq3A_32 : i1 to i32
    %cond3A = arith.constant 0 : i32
    %cond3A_33 = arith.cmpi ne, %convert_element_type3A, %cond3A : i32
    scf.if %cond3A_33 {
      %get3A_34 = arith.constant 0 : index
      %get3A_35 = arith.constant 0 : index
      %get3A_36 = vector.load %arg5[%get3A_34, %get3A_35] : memref<128x1xf32, #tpu.memory_space<vmem>>, vector<128x1xf32>
      %get3A_37 = arith.constant 0 : index
      %get3A_38 = arith.constant 0 : index
      %get3A_39 = vector.load %arg7[%get3A_37, %get3A_38] : memref<128x1xf32, #tpu.memory_space<vmem>>, vector<128x1xf32>
      %get3A_40 = arith.constant 0 : index
      %get3A_41 = arith.constant 0 : index
      %get3A_42 = vector.load %arg8[%get3A_40, %get3A_41] : memref<128x1xf32, #tpu.memory_space<vmem>>, vector<128x1xf32>
      %log3A = math.log %add3A_24 : vector<128x1xf32>
      %mul3A_43 = arith.mulf %log3A, %get3A_16 : vector<128x1xf32>
      %sub3A_44 = arith.subf %mul3A_43, %get3A_36 : vector<128x1xf32>
      %mul3A_45 = arith.mulf %sub3A_44, %div3A_26 : vector<128x1xf32>
      %swap3A_46 = arith.constant 0 : index
      %swap3A_47 = arith.constant 0 : index
      %swap3A_48 = vector.load %arg11[%swap3A_46, %swap3A_47] : memref<128x1xf32, #tpu.memory_space<vmem>>, vector<128x1xf32>
      tpu.vector_store %arg11[%swap3A_46, %swap3A_47], %mul3A_45 {strides = array<i32>} : memref<128x1xf32, #tpu.memory_space<vmem>>, vector<128x1xf32>,
      %gt3A_49 = arith.constant 0.000000e+00 : f32
      %gt3A_50 = vector.broadcast %gt3A_49 : f32 to vector<128x1xf32>
      %gt3A_51 = arith.cmpf ogt, %get3A_42, %gt3A_50 : vector<128x1xf32>
      %sub3A_52 = arith.subf %get3A_39, %get3A_13 : vector<128x1xf32>
      %sub3A_53 = arith.subf %sub3A_52, %log3A : vector<128x1xf32>
      %max3A = arith.constant -69.0775528 : f32
      %max3A_54 = vector.broadcast %max3A : f32 to vector<128x1xf32>
      %max3A_55 = arith.maximumf %sub3A_53, %max3A_54 : vector<128x1xf32>
      %jit3A_56 = arith.constant -69.0775528 : f32
      %broadcast_in_dim3A_57 = vector.broadcast %jit3A_56 : f32 to vector<128x1xf32>
      %select_n3A_58 = arith.select %gt3A_51, %max3A_55, %broadcast_in_dim3A_57 : vector<128x1xi1>, vector<128x1xf32>
      %swap3A_59 = arith.constant 0 : index
      %swap3A_60 = arith.constant 0 : index
      %swap3A_61 = vector.load %arg10[%swap3A_59, %swap3A_60] : memref<128x1xf32, #tpu.memory_space<vmem>>, vector<128x1xf32>
      tpu.vector_store %arg10[%swap3A_59, %swap3A_60], %select_n3A_58 {strides = array<i32>} : memref<128x1xf32, #tpu.memory_space<vmem>>, vector<128x1xf32>,
    } else {
    }
    return
  }
  func.func @transform_0(%arg0: i32) -> (i32, i32) {
    %c0_i32 = arith.constant 0 : i32
    %c0_i32_0 = arith.constant 0 : i32
    return %c0_i32, %arg0 : i32, i32
  }
  func.func @transform_1(%arg0: i32) -> (i32, i32) {
    %c0_i32 = arith.constant 0 : i32
    %c0_i32_0 = arith.constant 0 : i32
    return %c0_i32, %arg0 : i32, i32
  }
  func.func @transform_2(%arg0: i32) -> (i32, i32) {
    %c0_i32 = arith.constant 0 : i32
    %c0_i32_0 = arith.constant 0 : i32
    %c0_i32_1 = arith.constant 0 : i32
    return %c0_i32, %c0_i32_0 : i32, i32
  }
  func.func @transform_3(%arg0: i32) -> (i32, i32) {
    %c0_i32 = arith.constant 0 : i32
    %c0_i32_0 = arith.constant 0 : i32
    %c0_i32_1 = arith.constant 0 : i32
    return %c0_i32, %c0_i32_0 : i32, i32
  }
  func.func @transform_4(%arg0: i32) -> (i32, i32) {
    %c0_i32 = arith.constant 0 : i32
    %c0_i32_0 = arith.constant 0 : i32
    %c0_i32_1 = arith.constant 0 : i32
    return %c0_i32, %c0_i32_0 : i32, i32
  }
  func.func @transform_5(%arg0: i32) -> (i32, i32) {
    %c0_i32 = arith.constant 0 : i32
    %c0_i32_0 = arith.constant 0 : i32
    %c0_i32_1 = arith.constant 0 : i32
    return %c0_i32, %c0_i32_0 : i32, i32
  }
  func.func @transform_6(%arg0: i32) -> (i32, i32) {
    %c0_i32 = arith.constant 0 : i32
    %c0_i32_0 = arith.constant 0 : i32
    %c0_i32_1 = arith.constant 0 : i32
    return %c0_i32, %c0_i32_0 : i32, i32
  }
  func.func @transform_7(%arg0: i32) -> (i32, i32) {
    %c0_i32 = arith.constant 0 : i32
    %c0_i32_0 = arith.constant 0 : i32
    %c0_i32_1 = arith.constant 0 : i32
    return %c0_i32, %c0_i32_0 : i32, i32
  }
  func.func @transform_8(%arg0: i32) -> (i32, i32) {
    %c0_i32 = arith.constant 0 : i32
    %c0_i32_0 = arith.constant 0 : i32
    return %c0_i32, %arg0 : i32, i32
  }
  func.func @transform_9(%arg0: i32) -> (i32, i32) {
    %c0_i32 = arith.constant 0 : i32
    %c0_i32_0 = arith.constant 0 : i32
    %c0_i32_1 = arith.constant 0 : i32
    return %c0_i32, %c0_i32_0 : i32, i32
  }
  func.func @transform_10(%arg0: i32) -> (i32, i32) {
    %c0_i32 = arith.constant 0 : i32
    %c0_i32_0 = arith.constant 0 : i32
    %c0_i32_1 = arith.constant 0 : i32
    return %c0_i32, %c0_i32_0 : i32, i32
  }
}

</mosaic_0001>

<sc_bundles>
// kernel: kernel.5.cloned.1.call-start
scs
__scs_entry_jumppad:
0x0: {  	(pc) =	sbr.rel $0x88, $3  }
0x1: {  	(tag) =	ssettag $0x0;
	lr =	simm.s32 $0x1  }
0x2: {  	[smem:$0x3F9E] =	sst lr;
	_ =	strace $0xD0000000  }
0x3: {  	_ = 	snop  }
0x4: {  	_ = 	snop  }
0x5: {  	_ = 	snop  }
0x6: {  	_ = 	snop  }
0x7: {  	_ = 	snop  }
__scs_overlays_trampoline_lowered:
0x8: {  	[smem:$0x3FAD] =	sst s0  }
0x9: {  	[smem:$0x3FAE] =	sst s1  }
0xa: {  	[smem:$0x3FAF] =	sst s2  }
0xb: {  	[smem:$0x3FB0] =	sst s3  }
0xc: {  	[smem:$0x3FB1] =	sst s4  }
0xd: {  	[smem:$0x3FB2] =	sst s5  }
0xe: {  	[smem:$0x3FB3] =	sst s6  }
0xf: {  	[smem:$0x3FB4] =	sst s7  }
0x10: {  	[smem:$0x3FB5] =	sst s8  }
0x11: {  	[smem:$0x3FB6] =	sst s9;
	s0 =	simm.s32 @!p0 $0x0  }
0x12: {  	s1 =	sld [smem:$0x3F9C];
	s0 =	simm.s32 @p0 $0x1  }
0x13: {  	[smem:$0x3FB7] =	sst s0;
	s0 =	simm.s32 @!p1 $0x0  }
0x14: {  	s2 =	sld [smem:$0x3F9B];
	s0 =	simm.s32 @p1 $0x1  }
0x15: {  	[smem:$0x3FB8] =	sst s0;
	s0 =	simm.s32 @!p2 $0x0  }
0x16: {  	s3 =	sld [smem:$0x3FDB];
	s0 =	simm.s32 @p2 $0x1  }
0x17: {  	s4 =	simm.s32 $0x1BF5;
	[smem:$0x3FBA] =	sst s0  }
0x18: {  	s0 =	sld [smem:$0x3F9D];
	_ =	swait.ge [sflag:s4], $0x0  }
0x19: {  	s7 =	sld [smem:$0x3F9E]  }
0x1a: {  	s8 =	sadd.s32 $0xFFFFE003, lr  }
0x1b: {  	s9 =	sadd.s32 $0xFFFFFEF7, lr;
	s5 =	simm.s32 $0xFFFFFFFF;
	p2 =	slt.u32 s8, $0xFFFFF086  }
0x1c: {  	p1 =	slt.u32 s9, $0xF7A;
	s5 =	simm.s32 @!p2 $0x0  }
0x1d: {  	s5 =	simm.s32 @p1 $0x1;
	p0 =	seq.s32 s7, s2  }
0x1e: {  	s7 =	smul.u32 @!p0 $0xF7A, s2;
	p2 =	seq.s32 @!p0 s5, $0x0  }
0x1f: {  	s9 =	smul.u32 $0xF7A, s1;
	s8 =	simm.s32 @!p0 $0x1BF5;
	p2 =	por !p2, p0  }
0x20: {  	[sflag:s8] =	ssyncset.s32 @!p0 $0xFFFFF086;
	s6 =	sadd.s32 @!p0 s3, s7;
	s7 =	simm.s32 @!p0 $0x108  }
0x21: {  	s3 =	sadd.s32 s3, s9;
	s6 =	sadd.s32 @!p0 $0x88, s6;
	s7 =	simm.s32 @p2 $0x1082  }
0x22: {  	[simem:s7], [sflag:s8] =	dma.local @!p0 [hbm:s6], $0xF7A  }
0x23: {  	s9 =	sor.u32 $0xD0000000, s2;
	s6 =	simm.s32 $0x108;
	_ =	swait.ge @!p0 [sflag:s8], $0x0  }
0x24: {  	s3 =	sadd.s32 $0x88, s3;
	s6 =	simm.s32 @!p1 $0x1082;
	[sflag:s4] =	ssyncset.s32 $0xFFFFF086  }
0x25: {  	[simem:s6], [sflag:s4] =	dma.local [hbm:s3], $0xF7A  }
0x26: {  	[smem:$0x3F9E] =	sst s1;
	(tag) =	ssettag s2;
	_ =	strace s9  }
0x27: {  	s1 =	sld [smem:$0x3FAE]  }
0x28: {  	s2 =	sld [smem:$0x3FAF]  }
0x29: {  	s4 =	sld [smem:$0x3FB1]  }
0x2a: {  	p0 =	seq.s32 s5, $0x0;
	s5 =	sld [smem:$0x3FB2]  }
0x2b: {  	s6 =	sld [smem:$0x3FB3]  }
0x2c: {  	s7 =	sld [smem:$0x3FB4]  }
0x2d: {  	s3 =	simm.s32 $0x108;
	s8 =	sld [smem:$0x3FB5]  }
0x2e: {  	s3 =	simm.s32 @!p0 $0x1082;
	s9 =	sld [smem:$0x3FB6]  }
0x2f: {  	lr =	sadd.s32 s0, s3;
	s0 =	sld [smem:$0x3FAD]  }
0x30: {  	s3 =	sld [smem:$0x3FB0]  }
0x31: {  	[smem:$0x3FB9] =	sst s10  }
0x32: {  	s10 =	sld [smem:$0x3FB7];
	_ =	sdelay $0x3  }
0x33: {  	p0 =	seq.s32 s10, $0x1;
	s10 =	sld [smem:$0x3FB9];
	_ =	sdelay $0x3  }
0x34: {  	[smem:$0x3FB9] =	sst s10  }
0x35: {  	s10 =	sld [smem:$0x3FB8];
	_ =	sdelay $0x3  }
0x36: {  	p1 =	seq.s32 s10, $0x1;
	s10 =	sld [smem:$0x3FB9];
	_ =	sdelay $0x3  }
0x37: {  	[smem:$0x3FB9] =	sst s10  }
0x38: {  	s10 =	sld [smem:$0x3FBA]  }
0x39: {  	_ = 	snop;
	(pc) =	sbr.ind lr, $3  }
0x3a: {  	_ = 	snop  }
0x3b: {  	_ = 	snop  }
0x3c: {  	p2 =	seq.s32 s10, $0x1;
	s10 =	sld [smem:$0x3FB9]  }
0x3d: {  	_ =	shalt  }
0x3e: {  	_ =	shalt  }
0x3f: {  	_ =	shalt  }
0x40: {  	_ =	shalt  }
0x41: {  	_ =	shalt  }
0x42: {  	_ =	shalt  }
0x43: {  	_ =	shalt  }
0x44: {  	_ =	shalt  }
0x45: {  	_ =	shalt  }
0x46: {  	_ =	shalt  }
0x47: {  	_ =	shalt  }
0x48: {  	_ =	shalt  }
0x49: {  	_ =	shalt  }
0x4a: {  	_ =	shalt  }
0x4b: {  	_ =	shalt  }
0x4c: {  	_ =	shalt  }
0x4d: {  	_ =	shalt  }
0x4e: {  	_ =	shalt  }
0x4f: {  	_ =	shalt  }
0x50: {  	_ =	shalt  }
0x51: {  	_ =	shalt  }
0x52: {  	_ =	shalt  }
0x53: {  	_ =	shalt  }
0x54: {  	_ =	shalt  }
0x55: {  	_ =	shalt  }
0x56: {  	_ =	shalt  }
0x57: {  	_ =	shalt  }
0x58: {  	_ =	shalt  }
0x59: {  	_ =	shalt  }
0x5a: {  	_ =	shalt  }
0x5b: {  	_ =	shalt  }
0x5c: {  	_ =	shalt  }
0x5d: {  	_ =	shalt  }
0x5e: {  	_ =	shalt  }
0x5f: {  	_ =	shalt  }
0x60: {  	_ =	shalt  }
0x61: {  	_ =	shalt  }
0x62: {  	_ =	shalt  }
0x63: {  	_ =	shalt  }
0x64: {  	_ =	shalt  }
0x65: {  	_ =	shalt  }
0x66: {  	_ =	shalt  }
0x67: {  	_ =	shalt  }
0x68: {  	_ =	shalt  }
0x69: {  	_ =	shalt  }
0x6a: {  	_ =	shalt  }
0x6b: {  	_ =	shalt  }
0x6c: {  	_ =	shalt  }
0x6d: {  	_ =	shalt  }
0x6e: {  	_ =	shalt  }
0x6f: {  	_ =	shalt  }
0x70: {  	_ =	shalt  }
0x71: {  	_ =	shalt  }
0x72: {  	_ =	shalt  }
0x73: {  	_ =	shalt  }
0x74: {  	_ =	shalt  }
0x75: {  	_ =	shalt  }
0x76: {  	_ =	shalt  }
0x77: {  	_ =	shalt  }
0x78: {  	_ =	shalt  }
0x79: {  	_ =	shalt  }
0x7a: {  	_ =	shalt  }
0x7b: {  	_ =	shalt  }
0x7c: {  	_ =	shalt  }
0x7d: {  	_ =	shalt  }
0x7e: {  	_ =	shalt  }
0x7f: {  	_ =	shalt  }
0x80: {  	_ =	shalt  }
0x81: {  	_ =	shalt  }
0x82: {  	_ =	shalt  }
0x83: {  	_ =	shalt  }
0x84: {  	_ =	shalt  }
0x85: {  	_ =	shalt  }
0x86: {  	_ =	shalt  }
0x87: {  	_ =	shalt  }
.Lfunc_end0:
.L_simem_size_0:
called_computation_lowered:
.L_overlay_start_0:
0x88: {  	s2 =	sld [smem:$0x3FD9]  }
0x89: {  	s3 =	sld [smem:$0x3FFE];
	_ =	sdelay $0x1  }
0x8a: {  	s1 =	srdreg.scid  }
0x8b: {  	s0 =	sand.u32 $0x1, s1  }
0x8c: {  	s14 =	sshll.u32 s0, $0xA;
	s2 =	sadd.s32 s3, s2  }
0x8d: {  	s2 =	sadd.s32 s2, s14  }
0x8e: {  	[smem:$0x3FC5] =	sst s2  }
0x8f: {  	_ = 	snop  }
0x90: {  	s2 =	sld [smem:$0x3FD0];
	_ =	sdelay $0x2  }
0x91: {  	s4 =	simm.s32 $0xA;
	s5 =	simm.s32 $0x10;
	s15 =	sld [smem:$0x3FC7]  }
0x92: {  	[smem:s5], [sflag:s4] =	dma.local [hbm:s2], $0x1  }
0x93: {  	_ =	swait.eq [sflag:s4], $0x1  }
0x94: {  	s16 =	sld [smem:$0x10];
	[sflag:s4] =	ssyncset.done $0x0  }
0x95: {  	s17 =	sld [smem:$0x11];
	[sflag:s4] =	ssyncadd.s32 $0xFFFFFFFF  }
0x96: {  	s18 =	sld [smem:$0x12];
	(tm) =	ssettm $0x1  }
0x97: {  	s6 =	sld [smem:$0x3FFB];
	_ =	sdelay $0x3  }
0x98: {  	_ =	strace s6  }
0x99: {  	s6 =	sld [smem:$0x3FFC];
	_ =	sdelay $0x3  }
0x9a: {  	_ =	strace s6  }
0x9b: {  	s6 =	sld [smem:$0x3FFD];
	_ =	sdelay $0x3  }
0x9c: {  	_ =	strace s6  }
0x9d: {  	_ =	strace $0x8FFFFFFF  }
0x9e: {  	s19 =	sld [smem:$0x3FDB];
	_ =	sdelay $0x1  }
0x9f: {  	s7 =	simm.s32 $_scs_section_size  }
0xa0: {  	s8 =	simm.s32 $_size__tile_overlayer_lowered;
	s9 =	simm.s32 $_tile_overlayer_lowered  }
0xa1: {  	s22 =	simm.s32 $0x1BFF;
	s21 =	sshll.u32 s9, $0x1;
	s6 =	sadd.s32 s7, s19  }
0xa2: {  	s10 =	simm.s32 $0x0;
	s20 =	sshll.u32 s8, $0x1;
	s8 =	sadd.s32 s21, s6  }
0xa3: {  	[timem:s10], [sflag:s22] =	dma.local [hbm:s8], s20  }
0xa4: {  	_ =	swait.ge [sflag:s22], s20  }
0xa5: {  	s7 =	ssub.s32 $0x0, s20;
	[sflag:s22] =	ssyncset.done $0x0  }
0xa6: {  	[sflag:s22] =	ssyncadd.s32 s7;
	_ =	sdelay $0x1  }
0xa7: {  	s23 =	simm.s32 $0x1B8B  }
0xa8: {  	_ =	swait.ge [sflag:s23], $0x1  }
0xa9: {  	[sflag:s23] =	ssyncset.done $0x0  }
0xaa: {  	s25 =	simm.s32 $0x1B8E;
	s24 =	sld [smem:$0x3FFE];
	[sflag:s23] =	ssyncadd.s32 $0xFFFFFFFF  }
0xab: {  	s26 =	simm.s32 $execute0_lowered;
	[smem:$0x3FD2] =	sst s25  }
0xac: {  	s8 =	sshll.u32 s26, $0x1;
	_ =	strace $0x80000046;
	[dreg:$0x1] =	wrdreg $0xFFFFFFFF  }
0xad: {  	s28 =	simm.s32 $_size_execute0_lowered;
	s6 =	sadd.s32 s6, s8;
	[dreg:$0x0] =	wrdreg $0x0  }
0xae: {  	s8 =	sshll.u32 s28, $0x1;
	[dreg:$0x2] =	wrdreg s6  }
0xaf: {  	[dreg:$0x3] =	wrdreg s8  }
0xb0: {  	[dreg:$0x4] =	wrdreg $0xC0  }
0xb1: {  	_ =	task [dreg:s10], $0x5FFFF  }
0xb2: {  	[dreg:$0x1] =	wrdreg $0xFFFFFFFF  }
0xb3: {  	[dreg:$0x0] =	wrdreg $0x60  }
0xb4: {  	[dreg:$0x2] =	wrdreg s18  }
0xb5: {  	[dreg:$0x3] =	wrdreg s24  }
0xb6: {  	[dreg:$0x4] =	wrdreg s15  }
0xb7: {  	[dreg:$0x5] =	wrdreg s17  }
0xb8: {  	[dreg:$0x6] =	wrdreg s16  }
0xb9: {  	[dreg:$0x7] =	wrdreg $0x9  }
0xba: {  	_ =	task.clear_ibuf [dreg:s10], $0x8FFFF;
	_ =	strace $0x90000046  }
0xbb: {  	s29 =	simm.s32 $0x9;
	_ =	strace $0x80000048  }
0xbc: {  	_ =	swait.ge [sflag:s29], $0x1  }
0xbd: {  	[sflag:s29] =	ssyncadd.s32 $0xFFFFFFFF  }
0xbe: {  	_ =	strace $0x90000048  }
0xbf: {  	_ =	sfence  }
0xc0: {  	s30 =	sld [smem:$0x0];
	_ =	sdelay $0x2  }
0xc1: {  	s31 =	sshll.u32 s1, $0xD;
	s1 =	sshrl.u32 s1, $0x2  }
0xc2: {  	s3 =	sand.u32 $0x4000, s31;
	s1 =	sadd.s32 s1, s30  }
0xc3: {  	s0 =	sor.u32 s3, s0;
	s1 =	sshll.u32 s1, $0x11  }
0xc4: {  	s0 =	sor.u32 s1, s0  }
0xc5: {  	s0 =	sadd.s32 $0x8F2B, s0  }
0xc6: {  	[sflag:s0] =	ssyncadd.remote.s32 $0x1  }
0xc7: {  	_ =	sfence.sel $0xFFFF  }
0xc8: {  	[dreg:$0x0] =	wrdreg $0xFFFFFFFF;
	(pc) =	sbr.abs _section_cstart, $3  }
0xc9: {  	[dreg:$0x1] =	wrdreg $0xFFFFFFFF  }
0xca: {  	_ =	task.clear_ibuf [dreg:s10], $0x2FFFF;
	_ =	strace $0x9FFFFFFF  }
0xcb: {  	(tm) =	ssettm $0x7FFFFFFF  }
tec
execute0_lowered:
.L_overlay_start_1:
0x0: {  	(tag) =	ssettag $0x1  }
0x1: {  	s2 =	rddreg [dreg:$0x0];
	s1 =	stileid.u32  }
0x2: {  	s10 =	rddreg [dreg:$0x1];
	p0 =	sgt.u32 s1, $0x3  }
.Ltmp0:
0x3: {  	s4 =	rddreg [dreg:$0x2];
	(pc) =	sbr.rel @p0 .LBB2_4-.Ltmp0, $4  }
0x4: {  	s13 =	rddreg [dreg:$0x3]  }
0x5: {  	s14 =	rddreg [dreg:$0x4];
	s3 =	simm.s32 $0x0  }
0x6: {  	[smem:$0x7FF] =	sst s3  }
0x7: {  	s0 =	rddreg [dreg:$0x5];
	_ =	strace $0x80000047  }
0x8: {  	s5 =	srdreg.scid  }
0x9: {  	s31 =	sshll.u32 s1, $0x1;
	s15 =	sand.u32 $0x1, s5  }
0xa: {  	s6 =	sor.u32 s15, s31  }
0xb: {  	s16 =	sshll.u32 s6, $0x1  }
0xc: {  	s5 =	sadd.s32 s4, s16;
	s4 =	simm.s32 $0x3  }
0xd: {  	[tilespmem:s3], [sflag:$0x3] =	stream.linear.gather [hbm4b:s5+s3], $0x10, $0x38;
	[tilespmem:$0x200] =	vst v63  }
0xe: {  	_ =	swait.ge [sflag:s4], $0x10  }
0xf: {  	s6 =	sshll.u32 s6, $0x4;
	[sflag:s4] =	ssyncset.done $0x0  }
0x10: {  	v0 =	vmov s6;
	[sflag:s4] =	ssyncadd.s32 $0xFFFFFFF0  }
0x11: {  	v0 =	vmul.u32 $0x186A0, v0;
	v1 =	vld [tilespmem:$0x0]  }
0x12: {  	v2 =	vlaneseq.u32  }
0x13: {  	v2 =	vmul.u32 $0x186A0, v2;
	v0 =	vbroadcast v0, $0x0;
	_ =	sdelay $0x1  }
0x14: {  	v0 =	vadd.s32 v2, v0  }
0x15: {  	s7 =	simm.s32 $0x80;
	v1 =	vadd.s32 v1, v0  }
0x16: {  	s8 =	simm.s32 $0x100;
	s9 =	simm.s32 $0x1;
	s6 =	simm.s32 $0x10;
	[tilespmem:$0x80] =	vst v1  }
0x17: {  	[tilespmem:s8], [sflag:$0x1] =	stream.indirect.gather [hbm4b:s2+s6], $0x1, s7, s6, $0xb8;
	[tilespmem:$0x200] =	vst v63  }
0x18: {  	_ =	swait.ge [sflag:s9], $0x10  }
0x19: {  	s10 =	sadd.s32 $0x30E200, s10;
	s11 =	simm.s32 $0x180;
	[sflag:s9] =	ssyncset.done $0x0  }
0x1a: {  	s12 =	simm.s32 $0x2;
	s15 =	ssub.s32 $0x2, s15;
	[sflag:s9] =	ssyncadd.s32 $0xFFFFFFF0  }
0x1b: {  	[tilespmem:s11], [sflag:$0x2] =	stream.indirect.gather [hbm4b:s10+s6], $0x1, s7, s6, $0xb8;
	[tilespmem:$0x200] =	vst v63  }
0x1c: {  	s17 =	sshrl.u32 s15, $0x1;
	_ =	swait.ge [sflag:s12], $0x10  }
0x1d: {  	s15 =	ssub.s32 s15, s17;
	[sflag:s12] =	ssyncset.done $0x0  }
0x1e: {  	s13 =	sadd.s32 s13, s16;
	s15 =	smax.u32 s15, $0x1;
	[sflag:s12] =	ssyncadd.s32 $0xFFFFFFF0  }
0x1f: {  	[hbm4b:s13+s3] =	stream.linear.scatter [tilespmem:s8], [sflag:$0x3], $0x10, $0x38;
	[tilespmem:$0x200] =	vst v63  }
0x20: {  	p0 =	sne.s32 s15, $0x1;
	_ =	swait.ge [sflag:s4], $0x10  }
.Ltmp1:
0x21: {  	[sflag:s4] =	ssyncset.done $0x0;
	(pc) =	sbr.rel @!p0 .LBB2_3-.Ltmp1, $4  }
0x22: {  	s14 =	sadd.s32 s14, s16;
	[sflag:s4] =	ssyncadd.s32 $0xFFFFFFF0  }
0x23: {  	[hbm4b:s14+s3] =	stream.linear.scatter [tilespmem:s11], [sflag:$0x3], $0x10, $0x38;
	[tilespmem:$0x200] =	vst v63  }
0x24: {  	_ =	swait.ge [sflag:s4], $0x10  }
0x25: {  	s15 =	sadd.s32 $0xFFFFFFFF, s15;
	[sflag:s4] =	ssyncset.done $0x0  }
.LBB2_2:
0x26: {  	p0 =	sne.s32 s15, $0x1;
	s15 =	sadd.s32 $0xFFFFFFFF, s15;
	[sflag:s4] =	ssyncadd.s32 $0xFFFFFFF0  }
0x27: {  	[tilespmem:s3], [sflag:$0x3] =	stream.linear.gather [hbm4b:s5+s3], $0x10, $0x38;
	[tilespmem:$0x200] =	vst v63  }
0x28: {  	_ =	swait.ge [sflag:s4], $0x10  }
0x29: {  	[sflag:s4] =	ssyncset.done $0x0  }
0x2a: {  	[sflag:s4] =	ssyncadd.s32 $0xFFFFFFF0  }
0x2b: {  	v1 =	vld [tilespmem:$0x0];
	_ =	sdelay $0x4  }
0x2c: {  	v1 =	vadd.s32 v1, v0  }
0x2d: {  	[tilespmem:$0x80] =	vst v1  }
0x2e: {  	[tilespmem:s8], [sflag:$0x1] =	stream.indirect.gather [hbm4b:s2+s6], $0x1, s7, s6, $0xb8;
	[tilespmem:$0x200] =	vst v63  }
0x2f: {  	_ =	swait.ge [sflag:s9], $0x10  }
0x30: {  	[sflag:s9] =	ssyncset.done $0x0  }
0x31: {  	[sflag:s9] =	ssyncadd.s32 $0xFFFFFFF0  }
0x32: {  	[tilespmem:s11], [sflag:$0x2] =	stream.indirect.gather [hbm4b:s10+s6], $0x1, s7, s6, $0xb8;
	[tilespmem:$0x200] =	vst v63  }
0x33: {  	_ =	swait.ge [sflag:s12], $0x10  }
0x34: {  	[sflag:s12] =	ssyncset.done $0x0  }
0x35: {  	[sflag:s12] =	ssyncadd.s32 $0xFFFFFFF0  }
0x36: {  	[hbm4b:s13+s3] =	stream.linear.scatter [tilespmem:s8], [sflag:$0x3], $0x10, $0x38;
	[tilespmem:$0x200] =	vst v63  }
0x37: {  	_ =	swait.ge [sflag:s4], $0x10  }
.Ltmp2:
0x38: {  	[sflag:s4] =	ssyncset.done $0x0;
	(pc) =	sbr.rel @p0 .LBB2_2-.Ltmp2, $4  }
0x39: {  	[sflag:s4] =	ssyncadd.s32 $0xFFFFFFF0  }
0x3a: {  	[hbm4b:s14+s3] =	stream.linear.scatter [tilespmem:s11], [sflag:$0x3], $0x10, $0x38;
	[tilespmem:$0x200] =	vst v63  }
0x3b: {  	_ =	swait.ge [sflag:s4], $0x10  }
0x3c: {  	[sflag:s4] =	ssyncset.done $0x0  }
.LBB2_3:
0x3d: {  	[sflag:s4] =	ssyncadd.s32 $0xFFFFFFF0  }
.LBB2_4:
0x3e: {  	_ =	sfence.sel $0x180000  }
0x3f: {  	[bflag:$0x0] =	sbarrier.arrive $0xFFFF  }
0x40: {  	p0 =	sne.s32 s1, $0x0;
	_ =	strace $0x90000047  }
0x41: {  	s0 =	sadd.s32 @!p0 $0x100000, s0;
	[bflag:$0x2] =	sbarrier.arrive $0xFFFF  }
0x42: {  	[sflag:s0] =	ssyncadd.tile.s32 @!p0 $0x1;
	_ =	shalt  }
.Lfunc_end2:
_tile_overlayer_lowered:
.L_overlay_start_2:
0x43: {  	(tag) =	ssettag $0x2  }
0x44: {  	s0 =	rddreg [dreg:$0x0];
	s2 =	stileid.u32  }
0x45: {  	s1 =	rddreg [dreg:$0x1];
	p0 =	sne.s32 s2, $0x0  }
0x46: {  	s3 =	rddreg [dreg:$0x2];
	[bflag:$0x3] =	sbarrier.arrive $0xFFFF;
	s2 =	simm.s32 @!p0 $0x1C03  }
0x47: {  	[timem:s3], [sflag:s2] =	dma.local @!p0 [hbm:s0], s1  }
0x48: {  	s0 =	simm.s32 @!p0 $0x3  }
0x49: {  	_ =	swait.ge @!p0 [sflag:s0], s1  }
0x4a: {  	s1 =	ssub.s32 @!p0 $0x0, s1;
	[sflag:s0] =	ssyncset.done @!p0 $0x0  }
0x4b: {  	[sflag:s0] =	ssyncadd.s32 @!p0 s1  }
0x4c: {  	[bflag:$0x3] =	sbarrier.arrive $0xFFFF  }
0x4d: {  	_ =	shalt  }

</sc_bundles>
